<compile_context>
chip_gen: v7x
topology: tpu7x:2x2x1
jax: 0.10.2.dev20260603
libtpu: 0.0.44.dev20260713+nightly
codegen_flags: <defaults>
</compile_context>

<pallas_src>
import jax
import jax.numpy as jnp
from jax import lax
from jax.experimental import pallas as pl
from jax.experimental.pallas import tpu as pltpu
from jax.experimental.pallas import tpu_sc as plsc

D_MODEL = 64
B = 4096
L = 200
N = B * L
VOCAB = 1001

_info = plsc.get_sparse_core_info()
NC = _info.num_cores
NS = _info.num_subcores
NW = NC * NS

CHUNK = 512
PER_W = N // NW
N_CHUNKS = PER_W // CHUNK
G = N_CHUNKS // 2


def _sc_body(px_hbm, py_hbm, ex_hbm, ey_hbm, out_hbm,
             sh_ex, sh_ey, ix0, iy0, ix1, iy1, r0, r1,
             sa0, sb0, sc0, sa1, sb1, sc1):
  wid = lax.axis_index("s") * NC + lax.axis_index("c")
  w_base = wid * PER_W

  @pl.when(lax.axis_index("s") == 0)
  def _():
    pltpu.sync_copy(ex_hbm, sh_ex)
    pltpu.sync_copy(ey_hbm, sh_ey)

  plsc.subcore_barrier()

  def stage_idx(c, ix, iy):
    base = w_base + c * CHUNK
    pltpu.sync_copy(px_hbm.at[pl.ds(base, CHUNK)], ix)
    pltpu.sync_copy(py_hbm.at[pl.ds(base, CHUNK)], iy)

  def out_slice(c):
    return out_hbm.at[pl.ds(w_base + c * CHUNK, CHUNK)]

  stage_idx(0, ix0, iy0)
  pltpu.async_copy(sh_ex.at[ix0], r0, sa0)

  def g_body(g, _):
    c0 = 2 * g
    c1 = c0 + 1

    pltpu.make_async_copy(sh_ex.at[ix0], r0, sa0).wait()
    cpb0 = pltpu.async_copy(sh_ey.at[iy0], r0, sb0, add=True)

    @pl.when(g >= 1)
    def _():
      pltpu.make_async_copy(r1, out_slice(c0 - 1), sc1).wait()

    stage_idx(c1, ix1, iy1)
    pltpu.async_copy(sh_ex.at[ix1], r1, sa1)
    cpb0.wait()
    pltpu.async_copy(r0, out_slice(c0), sc0)

    pltpu.make_async_copy(sh_ex.at[ix1], r1, sa1).wait()
    cpb1 = pltpu.async_copy(sh_ey.at[iy1], r1, sb1, add=True)

    @pl.when(g + 1 < G)
    def _():
      pltpu.make_async_copy(r0, out_slice(c0), sc0).wait()
      stage_idx(c0 + 2, ix0, iy0)
      pltpu.async_copy(sh_ex.at[ix0], r0, sa0)

    cpb1.wait()
    pltpu.async_copy(r1, out_slice(c1), sc1)
    return 0

  lax.fori_loop(0, G, g_body, 0)

  pltpu.make_async_copy(r0, out_slice(N_CHUNKS - 2), sc0).wait()
  pltpu.make_async_copy(r1, out_slice(N_CHUNKS - 1), sc1).wait()


_mesh = plsc.VectorSubcoreMesh(core_axis_name="c", subcore_axis_name="s")

_sc_kernel = pl.kernel(
    _sc_body,
    out_type=jax.ShapeDtypeStruct((N, D_MODEL), jnp.float32),
    mesh=_mesh,
    scratch_types=[
        pltpu.VMEM_SHARED((VOCAB, D_MODEL), jnp.float32),
        pltpu.VMEM_SHARED((VOCAB, D_MODEL), jnp.float32),
        pltpu.VMEM((CHUNK,), jnp.int32),
        pltpu.VMEM((CHUNK,), jnp.int32),
        pltpu.VMEM((CHUNK,), jnp.int32),
        pltpu.VMEM((CHUNK,), jnp.int32),
        pltpu.VMEM((CHUNK, D_MODEL), jnp.float32),
        pltpu.VMEM((CHUNK, D_MODEL), jnp.float32),
        pltpu.SemaphoreType.DMA,
        pltpu.SemaphoreType.DMA,
        pltpu.SemaphoreType.DMA,
        pltpu.SemaphoreType.DMA,
        pltpu.SemaphoreType.DMA,
        pltpu.SemaphoreType.DMA,
    ],
    compiler_params=pltpu.CompilerParams(use_tc_tiling_on_sc=False),
)


@jax.jit
def kernel(pos_x, pos_y, ex_weight, ey_weight):
  px = pos_x.reshape(N).astype(jnp.int32)
  py = pos_y.reshape(N).astype(jnp.int32)
  out = _sc_kernel(px, py, ex_weight, ey_weight)
  return out.reshape(B, L, D_MODEL)

# --- scband reference (transcript-rebuilt; emitter-appended) ---
"""Pipeline reference for scband-two-dpositional-encoding-27479200759825 (READ-ONLY COPY).

The authoritative reference and input builder live on the scoring server;
editing this copy changes nothing except your own understanding.
"""

import jax, jax.numpy as jnp
import numpy as np

D_MODEL = 64
MAX_X = 1000
MAX_Y = 1000
B = 4096
L = 200


def setup_inputs(seed: int = 0) -> dict:
    key = jax.random.key(seed)
    k1, k2, k3, k4 = jax.random.split(key, 4)
    pos_x = jax.random.randint(k1, (B, L), 0, MAX_X + 1, dtype=jnp.int64 if jax.config.jax_enable_x64 else jnp.int32)
    pos_y = jax.random.randint(k2, (B, L), 0, MAX_Y + 1, dtype=jnp.int64 if jax.config.jax_enable_x64 else jnp.int32)
    ex_weight = jax.random.normal(k3, (MAX_X + 1, D_MODEL), dtype=jnp.float32)
    ey_weight = jax.random.normal(k4, (MAX_Y + 1, D_MODEL), dtype=jnp.float32)
    # pos==0 is padding => embedding row 0 zeroed (matches torch __init__)
    ex_weight = ex_weight.at[0].set(0.0)
    ey_weight = ey_weight.at[0].set(0.0)
    return {"pos_x": pos_x, "pos_y": pos_y, "ex_weight": ex_weight, "ey_weight": ey_weight}


def reference(pos_x, pos_y, ex_weight, ey_weight):
    # ex(pos_x) + ey(pos_y): two embedding gathers + elementwise add
    ex_out = jnp.take(ex_weight, pos_x, axis=0)
    ey_out = jnp.take(ey_weight, pos_y, axis=0)
    return ex_out + ey_out

if __name__ == "__main__":
    import jax
    _d = setup_inputs()
    print(jax.jit(kernel)(*tuple(_d.values())))

</pallas_src>

<mosaic_0001>
#map = affine_map<(d0, d1) -> (0)>
#map1 = affine_map<(d0, d1) -> (0, 0)>
module attributes {stable_mosaic.version = 14 : i64} {
  func.func @_sc_body(%arg0: i32, %arg1: i32, %arg2: memref<819200xi32, #tpu.memory_space<hbm>>, %arg3: memref<819200xi32, #tpu.memory_space<hbm>>, %arg4: memref<1001x64xf32, #tpu.memory_space<hbm>>, %arg5: memref<1001x64xf32, #tpu.memory_space<hbm>>, %arg6: memref<819200x64xf32, #tpu.memory_space<hbm>>, %arg7: memref<1001x64xf32, #tpu.memory_space<vmem_shared>>, %arg8: memref<1001x64xf32, #tpu.memory_space<vmem_shared>>, %arg9: memref<512xi32, #tpu.memory_space<vmem>>, %arg10: memref<512xi32, #tpu.memory_space<vmem>>, %arg11: memref<512xi32, #tpu.memory_space<vmem>>, %arg12: memref<512xi32, #tpu.memory_space<vmem>>, %arg13: memref<512x64xf32, #tpu.memory_space<vmem>>, %arg14: memref<512x64xf32, #tpu.memory_space<vmem>>, %arg15: memref<!tpu.dma_semaphore, #tpu.memory_space<semaphore_mem>>, %arg16: memref<!tpu.dma_semaphore, #tpu.memory_space<semaphore_mem>>, %arg17: memref<!tpu.dma_semaphore, #tpu.memory_space<semaphore_mem>>, %arg18: memref<!tpu.dma_semaphore, #tpu.memory_space<semaphore_mem>>, %arg19: memref<!tpu.dma_semaphore, #tpu.memory_space<semaphore_mem>>, %arg20: memref<!tpu.dma_semaphore, #tpu.memory_space<semaphore_mem>>) attributes {dimension_semantics = [#tpu.dimension_semantics<core_parallel>, #tpu.dimension_semantics<subcore_parallel>], iteration_bounds = array<i64: 2, 16>, scalar_prefetch = 0 : i64, scratch_operands = 14 : i64, tpu.core_type = #tpu.core_type<sc_vector_subcore>, window_params = [{transform_indices = #map}, {transform_indices = #map}, {transform_indices = #map1}, {transform_indices = #map1}, {transform_indices = #map1}]} {
    %mul3A = arith.constant 2 : i32
    %mul3A_0 = arith.muli %arg1, %mul3A : i32
    %add3A = arith.addi %mul3A_0, %arg0 : i32
    %mul3A_1 = arith.constant 25600 : i32
    %mul3A_2 = arith.muli %add3A, %mul3A_1 : i32
    %eq3A = arith.constant 0 : i32
    %eq3A_3 = arith.cmpi eq, %arg1, %eq3A : i32
    %convert_element_type3A = arith.extui %eq3A_3 : i1 to i32
    %cond3A = arith.constant 0 : i32
    %cond3A_4 = arith.cmpi ne, %convert_element_type3A, %cond3A : i32
    scf.if %cond3A_4 {
      "tpu.region"() ({
        %run_scoped3A = tpu.sem_alloc : memref<!tpu.dma_semaphore, #tpu.memory_space<semaphore_mem>>
        tpu.enqueue_dma source(%arg4 : memref<1001x64xf32, #tpu.memory_space<hbm>>) target(%arg7 : memref<1001x64xf32, #tpu.memory_space<vmem_shared>>) target_semaphore(%run_scoped3A : memref<!tpu.dma_semaphore, #tpu.memory_space<semaphore_mem>>)
        tpu.wait_dma2 semaphore(%run_scoped3A : memref<!tpu.dma_semaphore, #tpu.memory_space<semaphore_mem>>) src(%arg4 : memref<1001x64xf32, #tpu.memory_space<hbm>>) dst(%arg7 : memref<1001x64xf32, #tpu.memory_space<vmem_shared>>)
        tpu.yield
      }) : () -> ()
      "tpu.region"() ({
        %run_scoped3A = tpu.sem_alloc : memref<!tpu.dma_semaphore, #tpu.memory_space<semaphore_mem>>
        tpu.enqueue_dma source(%arg5 : memref<1001x64xf32, #tpu.memory_space<hbm>>) target(%arg8 : memref<1001x64xf32, #tpu.memory_space<vmem_shared>>) target_semaphore(%run_scoped3A : memref<!tpu.dma_semaphore, #tpu.memory_space<semaphore_mem>>)
        tpu.wait_dma2 semaphore(%run_scoped3A : memref<!tpu.dma_semaphore, #tpu.memory_space<semaphore_mem>>) src(%arg5 : memref<1001x64xf32, #tpu.memory_space<hbm>>) dst(%arg8 : memref<1001x64xf32, #tpu.memory_space<vmem_shared>>)
        tpu.yield
      }) : () -> ()
    } else {
    }
    %barrier3A = arith.constant 0 : index
    tpu.barrier barrier_id(%barrier3A)
    %add3A_5 = arith.constant 0 : i32
    %add3A_6 = arith.addi %mul3A_2, %add3A_5 : i32
    "tpu.region"() ({
      %run_scoped3A = tpu.sem_alloc : memref<!tpu.dma_semaphore, #tpu.memory_space<semaphore_mem>>
      %dma_start3A_26 = tpu.memref_slice %arg2[%add3A_6] : memref<819200xi32, #tpu.memory_space<hbm>> -> memref<512xi32, #tpu.memory_space<hbm>>
      %dma_start3A_27 = tpu.memref_slice %arg2[%add3A_6] : memref<819200xi32, #tpu.memory_space<hbm>> -> memref<512xi32, #tpu.memory_space<hbm>>
      tpu.enqueue_dma source(%dma_start3A_27 : memref<512xi32, #tpu.memory_space<hbm>>) target(%arg9 : memref<512xi32, #tpu.memory_space<vmem>>) target_semaphore(%run_scoped3A : memref<!tpu.dma_semaphore, #tpu.memory_space<semaphore_mem>>)
      %dma_wait3A_28 = tpu.memref_slice %arg2[%add3A_6] : memref<819200xi32, #tpu.memory_space<hbm>> -> memref<512xi32, #tpu.memory_space<hbm>>
      %dma_wait3A_29 = tpu.memref_slice %arg2[%add3A_6] : memref<819200xi32, #tpu.memory_space<hbm>> -> memref<512xi32, #tpu.memory_space<hbm>>
      tpu.wait_dma2 semaphore(%run_scoped3A : memref<!tpu.dma_semaphore, #tpu.memory_space<semaphore_mem>>) src(%dma_wait3A_29 : memref<512xi32, #tpu.memory_space<hbm>>) dst(%arg9 : memref<512xi32, #tpu.memory_space<vmem>>)
      tpu.yield
    }) : () -> ()
    "tpu.region"() ({
      %run_scoped3A = tpu.sem_alloc : memref<!tpu.dma_semaphore, #tpu.memory_space<semaphore_mem>>
      %dma_start3A_26 = tpu.memref_slice %arg3[%add3A_6] : memref<819200xi32, #tpu.memory_space<hbm>> -> memref<512xi32, #tpu.memory_space<hbm>>
      %dma_start3A_27 = tpu.memref_slice %arg3[%add3A_6] : memref<819200xi32, #tpu.memory_space<hbm>> -> memref<512xi32, #tpu.memory_space<hbm>>
      tpu.enqueue_dma source(%dma_start3A_27 : memref<512xi32, #tpu.memory_space<hbm>>) target(%arg10 : memref<512xi32, #tpu.memory_space<vmem>>) target_semaphore(%run_scoped3A : memref<!tpu.dma_semaphore, #tpu.memory_space<semaphore_mem>>)
      %dma_wait3A_28 = tpu.memref_slice %arg3[%add3A_6] : memref<819200xi32, #tpu.memory_space<hbm>> -> memref<512xi32, #tpu.memory_space<hbm>>
      %dma_wait3A_29 = tpu.memref_slice %arg3[%add3A_6] : memref<819200xi32, #tpu.memory_space<hbm>> -> memref<512xi32, #tpu.memory_space<hbm>>
      tpu.wait_dma2 semaphore(%run_scoped3A : memref<!tpu.dma_semaphore, #tpu.memory_space<semaphore_mem>>) src(%dma_wait3A_29 : memref<512xi32, #tpu.memory_space<hbm>>) dst(%arg10 : memref<512xi32, #tpu.memory_space<vmem>>)
      tpu.yield
    }) : () -> ()
    %dma_start3A = arith.constant 0 : i32
    %dma_start3A_7 = arith.constant 0 : i32
    %dma_start3A_8 = tpu.memref_slice %arg7[%dma_start3A, %dma_start3A_7] : memref<1001x64xf32, #tpu.memory_space<vmem_shared>> -> memref<1001x64xf32, #tpu.memory_space<vmem_shared>>
    tpu.enqueue_indirect_dma source(%dma_start3A_8 : memref<1001x64xf32, #tpu.memory_space<vmem_shared>>) target(%arg13 : memref<512x64xf32, #tpu.memory_space<vmem>>) offsets(%arg9 : memref<512xi32, #tpu.memory_space<vmem>>) semaphore(%arg15 : memref<!tpu.dma_semaphore, #tpu.memory_space<semaphore_mem>>)
    %scan3A = arith.constant 0 : i32
    %scan3A_9 = arith.constant 0 : i32
    %scan3A_10 = arith.constant 25 : i32
    %scan3A_11 = arith.addi %scan3A_9, %scan3A_10 : i32
    %scan3A_12 = arith.constant 1 : i32
    %scan3A_13 = scf.for %scan3A_26 = %scan3A_9 to %scan3A_11 step %scan3A_12 iter_args(%scan3A_27 = %scan3A) -> (i32)  : i32 {
      %mul3A_28 = arith.constant 2 : i32
      %mul3A_29 = arith.muli %mul3A_28, %scan3A_26 : i32
      %add3A_30 = arith.constant 1 : i32
      %add3A_31 = arith.addi %mul3A_29, %add3A_30 : i32
      %dma_wait3A_32 = arith.constant 0 : i32
      %dma_wait3A_33 = arith.constant 0 : i32
      %dma_wait3A_34 = tpu.memref_slice %arg7[%dma_wait3A_32, %dma_wait3A_33] : memref<1001x64xf32, #tpu.memory_space<vmem_shared>> -> memref<1001x64xf32, #tpu.memory_space<vmem_shared>>
      tpu.wait_indirect_dma semaphore(%arg15 : memref<!tpu.dma_semaphore, #tpu.memory_space<semaphore_mem>>) src(%dma_wait3A_34 : memref<1001x64xf32, #tpu.memory_space<vmem_shared>>) dst(%arg13 : memref<512x64xf32, #tpu.memory_space<vmem>>)
      %dma_start3A_35 = arith.constant 0 : i32
      %dma_start3A_36 = arith.constant 0 : i32
      %dma_start3A_37 = tpu.memref_slice %arg8[%dma_start3A_35, %dma_start3A_36] : memref<1001x64xf32, #tpu.memory_space<vmem_shared>> -> memref<1001x64xf32, #tpu.memory_space<vmem_shared>>
      tpu.enqueue_indirect_dma source(%dma_start3A_37 : memref<1001x64xf32, #tpu.memory_space<vmem_shared>>) target(%arg13 : memref<512x64xf32, #tpu.memory_space<vmem>>) offsets(%arg10 : memref<512xi32, #tpu.memory_space<vmem>>) semaphore(%arg16 : memref<!tpu.dma_semaphore, #tpu.memory_space<semaphore_mem>>) {add = true}
      %ge3A = arith.constant 1 : i32
      %ge3A_38 = arith.cmpi sge, %scan3A_26, %ge3A : i32
      %convert_element_type3A_39 = arith.extui %ge3A_38 : i1 to i32
      %cond3A_40 = arith.constant 0 : i32
      %cond3A_41 = arith.cmpi ne, %convert_element_type3A_39, %cond3A_40 : i32
      scf.if %cond3A_41 {
        %sub3A = arith.constant 1 : i32
        %sub3A_81 = arith.subi %mul3A_29, %sub3A : i32
        %mul3A_82 = arith.constant 512 : i32
        %mul3A_83 = arith.muli %sub3A_81, %mul3A_82 : i32
        %add3A_84 = arith.addi %mul3A_2, %mul3A_83 : i32
        %dma_wait3A_85 = arith.constant 0 : i32
        %dma_wait3A_86 = tpu.memref_slice %arg6[%add3A_84, %dma_wait3A_85] : memref<819200x64xf32, #tpu.memory_space<hbm>> -> memref<512x64xf32, #tpu.memory_space<hbm>>
        %dma_wait3A_87 = arith.constant 0 : i32
        %dma_wait3A_88 = tpu.memref_slice %arg6[%add3A_84, %dma_wait3A_87] : memref<819200x64xf32, #tpu.memory_space<hbm>> -> memref<512x64xf32, #tpu.memory_space<hbm>>
        tpu.wait_dma2 semaphore(%arg20 : memref<!tpu.dma_semaphore, #tpu.memory_space<semaphore_mem>>) src(%arg14 : memref<512x64xf32, #tpu.memory_space<vmem>>) dst(%dma_wait3A_88 : memref<512x64xf32, #tpu.memory_space<hbm>>)
      } else {
      }
      %mul3A_42 = arith.constant 512 : i32
      %mul3A_43 = arith.muli %add3A_31, %mul3A_42 : i32
      %add3A_44 = arith.addi %mul3A_2, %mul3A_43 : i32
      "tpu.region"() ({
        %run_scoped3A = tpu.sem_alloc : memref<!tpu.dma_semaphore, #tpu.memory_space<semaphore_mem>>
        %dma_start3A_81 = tpu.memref_slice %arg2[%add3A_44] : memref<819200xi32, #tpu.memory_space<hbm>> -> memref<512xi32, #tpu.memory_space<hbm>>
        %dma_start3A_82 = tpu.memref_slice %arg2[%add3A_44] : memref<819200xi32, #tpu.memory_space<hbm>> -> memref<512xi32, #tpu.memory_space<hbm>>
        tpu.enqueue_dma source(%dma_start3A_82 : memref<512xi32, #tpu.memory_space<hbm>>) target(%arg11 : memref<512xi32, #tpu.memory_space<vmem>>) target_semaphore(%run_scoped3A : memref<!tpu.dma_semaphore, #tpu.memory_space<semaphore_mem>>)
        %dma_wait3A_83 = tpu.memref_slice %arg2[%add3A_44] : memref<819200xi32, #tpu.memory_space<hbm>> -> memref<512xi32, #tpu.memory_space<hbm>>
        %dma_wait3A_84 = tpu.memref_slice %arg2[%add3A_44] : memref<819200xi32, #tpu.memory_space<hbm>> -> memref<512xi32, #tpu.memory_space<hbm>>
        tpu.wait_dma2 semaphore(%run_scoped3A : memref<!tpu.dma_semaphore, #tpu.memory_space<semaphore_mem>>) src(%dma_wait3A_84 : memref<512xi32, #tpu.memory_space<hbm>>) dst(%arg11 : memref<512xi32, #tpu.memory_space<vmem>>)
        tpu.yield
      }) : () -> ()
      "tpu.region"() ({
        %run_scoped3A = tpu.sem_alloc : memref<!tpu.dma_semaphore, #tpu.memory_space<semaphore_mem>>
        %dma_start3A_81 = tpu.memref_slice %arg3[%add3A_44] : memref<819200xi32, #tpu.memory_space<hbm>> -> memref<512xi32, #tpu.memory_space<hbm>>
        %dma_start3A_82 = tpu.memref_slice %arg3[%add3A_44] : memref<819200xi32, #tpu.memory_space<hbm>> -> memref<512xi32, #tpu.memory_space<hbm>>
        tpu.enqueue_dma source(%dma_start3A_82 : memref<512xi32, #tpu.memory_space<hbm>>) target(%arg12 : memref<512xi32, #tpu.memory_space<vmem>>) target_semaphore(%run_scoped3A : memref<!tpu.dma_semaphore, #tpu.memory_space<semaphore_mem>>)
        %dma_wait3A_83 = tpu.memref_slice %arg3[%add3A_44] : memref<819200xi32, #tpu.memory_space<hbm>> -> memref<512xi32, #tpu.memory_space<hbm>>
        %dma_wait3A_84 = tpu.memref_slice %arg3[%add3A_44] : memref<819200xi32, #tpu.memory_space<hbm>> -> memref<512xi32, #tpu.memory_space<hbm>>
        tpu.wait_dma2 semaphore(%run_scoped3A : memref<!tpu.dma_semaphore, #tpu.memory_space<semaphore_mem>>) src(%dma_wait3A_84 : memref<512xi32, #tpu.memory_space<hbm>>) dst(%arg12 : memref<512xi32, #tpu.memory_space<vmem>>)
        tpu.yield
      }) : () -> ()
      %dma_start3A_45 = arith.constant 0 : i32
      %dma_start3A_46 = arith.constant 0 : i32
      %dma_start3A_47 = tpu.memref_slice %arg7[%dma_start3A_45, %dma_start3A_46] : memref<1001x64xf32, #tpu.memory_space<vmem_shared>> -> memref<1001x64xf32, #tpu.memory_space<vmem_shared>>
      tpu.enqueue_indirect_dma source(%dma_start3A_47 : memref<1001x64xf32, #tpu.memory_space<vmem_shared>>) target(%arg14 : memref<512x64xf32, #tpu.memory_space<vmem>>) offsets(%arg11 : memref<512xi32, #tpu.memory_space<vmem>>) semaphore(%arg18 : memref<!tpu.dma_semaphore, #tpu.memory_space<semaphore_mem>>)
      %dma_wait3A_48 = arith.constant 0 : i32
      %dma_wait3A_49 = arith.constant 0 : i32
      %dma_wait3A_50 = tpu.memref_slice %arg8[%dma_wait3A_48, %dma_wait3A_49] : memref<1001x64xf32, #tpu.memory_space<vmem_shared>> -> memref<1001x64xf32, #tpu.memory_space<vmem_shared>>
      tpu.wait_indirect_dma semaphore(%arg16 : memref<!tpu.dma_semaphore, #tpu.memory_space<semaphore_mem>>) src(%dma_wait3A_50 : memref<1001x64xf32, #tpu.memory_space<vmem_shared>>) dst(%arg13 : memref<512x64xf32, #tpu.memory_space<vmem>>)
      %mul3A_51 = arith.constant 512 : i32
      %mul3A_52 = arith.muli %mul3A_29, %mul3A_51 : i32
      %add3A_53 = arith.addi %mul3A_2, %mul3A_52 : i32
      %dma_start3A_54 = arith.constant 0 : i32
      %dma_start3A_55 = tpu.memref_slice %arg6[%add3A_53, %dma_start3A_54] : memref<819200x64xf32, #tpu.memory_space<hbm>> -> memref<512x64xf32, #tpu.memory_space<hbm>>
      %dma_start3A_56 = arith.constant 0 : i32
      %dma_start3A_57 = tpu.memref_slice %arg6[%add3A_53, %dma_start3A_56] : memref<819200x64xf32, #tpu.memory_space<hbm>> -> memref<512x64xf32, #tpu.memory_space<hbm>>
      tpu.enqueue_dma source(%arg13 : memref<512x64xf32, #tpu.memory_space<vmem>>) target(%dma_start3A_57 : memref<512x64xf32, #tpu.memory_space<hbm>>) target_semaphore(%arg17 : memref<!tpu.dma_semaphore, #tpu.memory_space<semaphore_mem>>)
      %dma_wait3A_58 = arith.constant 0 : i32
      %dma_wait3A_59 = arith.constant 0 : i32
      %dma_wait3A_60 = tpu.memref_slice %arg7[%dma_wait3A_58, %dma_wait3A_59] : memref<1001x64xf32, #tpu.memory_space<vmem_shared>> -> memref<1001x64xf32, #tpu.memory_space<vmem_shared>>
      tpu.wait_indirect_dma semaphore(%arg18 : memref<!tpu.dma_semaphore, #tpu.memory_space<semaphore_mem>>) src(%dma_wait3A_60 : memref<1001x64xf32, #tpu.memory_space<vmem_shared>>) dst(%arg14 : memref<512x64xf32, #tpu.memory_space<vmem>>)
      %dma_start3A_61 = arith.constant 0 : i32
      %dma_start3A_62 = arith.constant 0 : i32
      %dma_start3A_63 = tpu.memref_slice %arg8[%dma_start3A_61, %dma_start3A_62] : memref<1001x64xf32, #tpu.memory_space<vmem_shared>> -> memref<1001x64xf32, #tpu.memory_space<vmem_shared>>
      tpu.enqueue_indirect_dma source(%dma_start3A_63 : memref<1001x64xf32, #tpu.memory_space<vmem_shared>>) target(%arg14 : memref<512x64xf32, #tpu.memory_space<vmem>>) offsets(%arg12 : memref<512xi32, #tpu.memory_space<vmem>>) semaphore(%arg19 : memref<!tpu.dma_semaphore, #tpu.memory_space<semaphore_mem>>) {add = true}
      %add3A_64 = arith.constant 1 : i32
      %add3A_65 = arith.addi %scan3A_26, %add3A_64 : i32
      %lt3A = arith.constant 25 : i32
      %lt3A_66 = arith.cmpi slt, %add3A_65, %lt3A : i32
      %convert_element_type3A_67 = arith.extui %lt3A_66 : i1 to i32
      %cond3A_68 = arith.constant 0 : i32
      %cond3A_69 = arith.cmpi ne, %convert_element_type3A_67, %cond3A_68 : i32
      scf.if %cond3A_69 {
        %mul3A_81 = arith.constant 512 : i32
        %mul3A_82 = arith.muli %mul3A_29, %mul3A_81 : i32
        %add3A_83 = arith.addi %mul3A_2, %mul3A_82 : i32
        %dma_wait3A_84 = arith.constant 0 : i32
        %dma_wait3A_85 = tpu.memref_slice %arg6[%add3A_83, %dma_wait3A_84] : memref<819200x64xf32, #tpu.memory_space<hbm>> -> memref<512x64xf32, #tpu.memory_space<hbm>>
        %dma_wait3A_86 = arith.constant 0 : i32
        %dma_wait3A_87 = tpu.memref_slice %arg6[%add3A_83, %dma_wait3A_86] : memref<819200x64xf32, #tpu.memory_space<hbm>> -> memref<512x64xf32, #tpu.memory_space<hbm>>
        tpu.wait_dma2 semaphore(%arg17 : memref<!tpu.dma_semaphore, #tpu.memory_space<semaphore_mem>>) src(%arg13 : memref<512x64xf32, #tpu.memory_space<vmem>>) dst(%dma_wait3A_87 : memref<512x64xf32, #tpu.memory_space<hbm>>)
        %add3A_88 = arith.constant 2 : i32
        %add3A_89 = arith.addi %mul3A_29, %add3A_88 : i32
        %mul3A_90 = arith.constant 512 : i32
        %mul3A_91 = arith.muli %add3A_89, %mul3A_90 : i32
        %add3A_92 = arith.addi %mul3A_2, %mul3A_91 : i32
        "tpu.region"() ({
          %run_scoped3A = tpu.sem_alloc : memref<!tpu.dma_semaphore, #tpu.memory_space<semaphore_mem>>
          %dma_start3A_96 = tpu.memref_slice %arg2[%add3A_92] : memref<819200xi32, #tpu.memory_space<hbm>> -> memref<512xi32, #tpu.memory_space<hbm>>
          %dma_start3A_97 = tpu.memref_slice %arg2[%add3A_92] : memref<819200xi32, #tpu.memory_space<hbm>> -> memref<512xi32, #tpu.memory_space<hbm>>
          tpu.enqueue_dma source(%dma_start3A_97 : memref<512xi32, #tpu.memory_space<hbm>>) target(%arg9 : memref<512xi32, #tpu.memory_space<vmem>>) target_semaphore(%run_scoped3A : memref<!tpu.dma_semaphore, #tpu.memory_space<semaphore_mem>>)
          %dma_wait3A_98 = tpu.memref_slice %arg2[%add3A_92] : memref<819200xi32, #tpu.memory_space<hbm>> -> memref<512xi32, #tpu.memory_space<hbm>>
          %dma_wait3A_99 = tpu.memref_slice %arg2[%add3A_92] : memref<819200xi32, #tpu.memory_space<hbm>> -> memref<512xi32, #tpu.memory_space<hbm>>
          tpu.wait_dma2 semaphore(%run_scoped3A : memref<!tpu.dma_semaphore, #tpu.memory_space<semaphore_mem>>) src(%dma_wait3A_99 : memref<512xi32, #tpu.memory_space<hbm>>) dst(%arg9 : memref<512xi32, #tpu.memory_space<vmem>>)
          tpu.yield
        }) : () -> ()
        "tpu.region"() ({
          %run_scoped3A = tpu.sem_alloc : memref<!tpu.dma_semaphore, #tpu.memory_space<semaphore_mem>>
          %dma_start3A_96 = tpu.memref_slice %arg3[%add3A_92] : memref<819200xi32, #tpu.memory_space<hbm>> -> memref<512xi32, #tpu.memory_space<hbm>>
          %dma_start3A_97 = tpu.memref_slice %arg3[%add3A_92] : memref<819200xi32, #tpu.memory_space<hbm>> -> memref<512xi32, #tpu.memory_space<hbm>>
          tpu.enqueue_dma source(%dma_start3A_97 : memref<512xi32, #tpu.memory_space<hbm>>) target(%arg10 : memref<512xi32, #tpu.memory_space<vmem>>) target_semaphore(%run_scoped3A : memref<!tpu.dma_semaphore, #tpu.memory_space<semaphore_mem>>)
          %dma_wait3A_98 = tpu.memref_slice %arg3[%add3A_92] : memref<819200xi32, #tpu.memory_space<hbm>> -> memref<512xi32, #tpu.memory_space<hbm>>
          %dma_wait3A_99 = tpu.memref_slice %arg3[%add3A_92] : memref<819200xi32, #tpu.memory_space<hbm>> -> memref<512xi32, #tpu.memory_space<hbm>>
          tpu.wait_dma2 semaphore(%run_scoped3A : memref<!tpu.dma_semaphore, #tpu.memory_space<semaphore_mem>>) src(%dma_wait3A_99 : memref<512xi32, #tpu.memory_space<hbm>>) dst(%arg10 : memref<512xi32, #tpu.memory_space<vmem>>)
          tpu.yield
        }) : () -> ()
        %dma_start3A_93 = arith.constant 0 : i32
        %dma_start3A_94 = arith.constant 0 : i32
        %dma_start3A_95 = tpu.memref_slice %arg7[%dma_start3A_93, %dma_start3A_94] : memref<1001x64xf32, #tpu.memory_space<vmem_shared>> -> memref<1001x64xf32, #tpu.memory_space<vmem_shared>>
        tpu.enqueue_indirect_dma source(%dma_start3A_95 : memref<1001x64xf32, #tpu.memory_space<vmem_shared>>) target(%arg13 : memref<512x64xf32, #tpu.memory_space<vmem>>) offsets(%arg9 : memref<512xi32, #tpu.memory_space<vmem>>) semaphore(%arg15 : memref<!tpu.dma_semaphore, #tpu.memory_space<semaphore_mem>>)
      } else {
      }
      %dma_wait3A_70 = arith.constant 0 : i32
      %dma_wait3A_71 = arith.constant 0 : i32
      %dma_wait3A_72 = tpu.memref_slice %arg8[%dma_wait3A_70, %dma_wait3A_71] : memref<1001x64xf32, #tpu.memory_space<vmem_shared>> -> memref<1001x64xf32, #tpu.memory_space<vmem_shared>>
      tpu.wait_indirect_dma semaphore(%arg19 : memref<!tpu.dma_semaphore, #tpu.memory_space<semaphore_mem>>) src(%dma_wait3A_72 : memref<1001x64xf32, #tpu.memory_space<vmem_shared>>) dst(%arg14 : memref<512x64xf32, #tpu.memory_space<vmem>>)
      %mul3A_73 = arith.constant 512 : i32
      %mul3A_74 = arith.muli %add3A_31, %mul3A_73 : i32
      %add3A_75 = arith.addi %mul3A_2, %mul3A_74 : i32
      %dma_start3A_76 = arith.constant 0 : i32
      %dma_start3A_77 = tpu.memref_slice %arg6[%add3A_75, %dma_start3A_76] : memref<819200x64xf32, #tpu.memory_space<hbm>> -> memref<512x64xf32, #tpu.memory_space<hbm>>
      %dma_start3A_78 = arith.constant 0 : i32
      %dma_start3A_79 = tpu.memref_slice %arg6[%add3A_75, %dma_start3A_78] : memref<819200x64xf32, #tpu.memory_space<hbm>> -> memref<512x64xf32, #tpu.memory_space<hbm>>
      tpu.enqueue_dma source(%arg14 : memref<512x64xf32, #tpu.memory_space<vmem>>) target(%dma_start3A_79 : memref<512x64xf32, #tpu.memory_space<hbm>>) target_semaphore(%arg20 : memref<!tpu.dma_semaphore, #tpu.memory_space<semaphore_mem>>)
      %scan3A_80 = arith.constant 0 : i32
      scf.yield %scan3A_80 : i32
    }
    %scan3A_14 = arith.constant 25 : i32
    %add3A_15 = arith.constant 24576 : i32
    %add3A_16 = arith.addi %mul3A_2, %add3A_15 : i32
    %dma_wait3A = arith.constant 0 : i32
    %dma_wait3A_17 = tpu.memref_slice %arg6[%add3A_16, %dma_wait3A] : memref<819200x64xf32, #tpu.memory_space<hbm>> -> memref<512x64xf32, #tpu.memory_space<hbm>>
    %dma_wait3A_18 = arith.constant 0 : i32
    %dma_wait3A_19 = tpu.memref_slice %arg6[%add3A_16, %dma_wait3A_18] : memref<819200x64xf32, #tpu.memory_space<hbm>> -> memref<512x64xf32, #tpu.memory_space<hbm>>
    tpu.wait_dma2 semaphore(%arg17 : memref<!tpu.dma_semaphore, #tpu.memory_space<semaphore_mem>>) src(%arg13 : memref<512x64xf32, #tpu.memory_space<vmem>>) dst(%dma_wait3A_19 : memref<512x64xf32, #tpu.memory_space<hbm>>)
    %add3A_20 = arith.constant 25088 : i32
    %add3A_21 = arith.addi %mul3A_2, %add3A_20 : i32
    %dma_wait3A_22 = arith.constant 0 : i32
    %dma_wait3A_23 = tpu.memref_slice %arg6[%add3A_21, %dma_wait3A_22] : memref<819200x64xf32, #tpu.memory_space<hbm>> -> memref<512x64xf32, #tpu.memory_space<hbm>>
    %dma_wait3A_24 = arith.constant 0 : i32
    %dma_wait3A_25 = tpu.memref_slice %arg6[%add3A_21, %dma_wait3A_24] : memref<819200x64xf32, #tpu.memory_space<hbm>> -> memref<512x64xf32, #tpu.memory_space<hbm>>
    tpu.wait_dma2 semaphore(%arg20 : memref<!tpu.dma_semaphore, #tpu.memory_space<semaphore_mem>>) src(%arg14 : memref<512x64xf32, #tpu.memory_space<vmem>>) dst(%dma_wait3A_25 : memref<512x64xf32, #tpu.memory_space<hbm>>)
    return
  }
}

</mosaic_0001>

<sc_bundles>
// kernel: kernel.3.cloned.1.call-start
scs
__scs_entry_jumppad:
0x0: {  	(pc) =	sbr.rel $0x88, $3  }
0x1: {  	(tag) =	ssettag $0x0;
	lr =	simm.s32 $0x1  }
0x2: {  	[smem:$0x3F9D] =	sst lr;
	_ =	strace $0xD0000000  }
0x3: {  	_ = 	snop  }
0x4: {  	_ = 	snop  }
0x5: {  	_ = 	snop  }
0x6: {  	_ = 	snop  }
0x7: {  	_ = 	snop  }
__scs_overlays_trampoline_lowered:
0x8: {  	[smem:$0x3FAC] =	sst s0  }
0x9: {  	[smem:$0x3FAD] =	sst s1  }
0xa: {  	[smem:$0x3FAE] =	sst s2  }
0xb: {  	[smem:$0x3FAF] =	sst s3  }
0xc: {  	[smem:$0x3FB0] =	sst s4  }
0xd: {  	[smem:$0x3FB1] =	sst s5  }
0xe: {  	[smem:$0x3FB2] =	sst s6  }
0xf: {  	[smem:$0x3FB3] =	sst s7  }
0x10: {  	[smem:$0x3FB4] =	sst s8  }
0x11: {  	[smem:$0x3FB5] =	sst s9;
	s0 =	simm.s32 @!p0 $0x0  }
0x12: {  	s1 =	sld [smem:$0x3F9B];
	s0 =	simm.s32 @p0 $0x1  }
0x13: {  	[smem:$0x3FB6] =	sst s0;
	s0 =	simm.s32 @!p1 $0x0  }
0x14: {  	s2 =	sld [smem:$0x3F9A];
	s0 =	simm.s32 @p1 $0x1  }
0x15: {  	[smem:$0x3FB7] =	sst s0;
	s0 =	simm.s32 @!p2 $0x0  }
0x16: {  	s3 =	sld [smem:$0x3FDB];
	s0 =	simm.s32 @p2 $0x1  }
0x17: {  	s4 =	simm.s32 $0x1BF5;
	[smem:$0x3FB9] =	sst s0  }
0x18: {  	s0 =	sld [smem:$0x3F9C];
	_ =	swait.ge [sflag:s4], $0x0  }
0x19: {  	s7 =	sld [smem:$0x3F9D]  }
0x1a: {  	s8 =	sadd.s32 $0xFFFFE003, lr  }
0x1b: {  	s9 =	sadd.s32 $0xFFFFFEF7, lr;
	s5 =	simm.s32 $0xFFFFFFFF;
	p2 =	slt.u32 s8, $0xFFFFF086  }
0x1c: {  	p1 =	slt.u32 s9, $0xF7A;
	s5 =	simm.s32 @!p2 $0x0  }
0x1d: {  	s5 =	simm.s32 @p1 $0x1;
	p0 =	seq.s32 s7, s2  }
0x1e: {  	s7 =	smul.u32 @!p0 $0xF7A, s2;
	p2 =	seq.s32 @!p0 s5, $0x0  }
0x1f: {  	s9 =	smul.u32 $0xF7A, s1;
	s8 =	simm.s32 @!p0 $0x1BF5;
	p2 =	por !p2, p0  }
0x20: {  	[sflag:s8] =	ssyncset.s32 @!p0 $0xFFFFF086;
	s6 =	sadd.s32 @!p0 s3, s7;
	s7 =	simm.s32 @!p0 $0x108  }
0x21: {  	s3 =	sadd.s32 s3, s9;
	s6 =	sadd.s32 @!p0 $0x88, s6;
	s7 =	simm.s32 @p2 $0x1082  }
0x22: {  	[simem:s7], [sflag:s8] =	dma.local @!p0 [hbm:s6], $0xF7A  }
0x23: {  	s9 =	sor.u32 $0xD0000000, s2;
	s6 =	simm.s32 $0x108;
	_ =	swait.ge @!p0 [sflag:s8], $0x0  }
0x24: {  	s3 =	sadd.s32 $0x88, s3;
	s6 =	simm.s32 @!p1 $0x1082;
	[sflag:s4] =	ssyncset.s32 $0xFFFFF086  }
0x25: {  	[simem:s6], [sflag:s4] =	dma.local [hbm:s3], $0xF7A  }
0x26: {  	[smem:$0x3F9D] =	sst s1;
	(tag) =	ssettag s2;
	_ =	strace s9  }
0x27: {  	s1 =	sld [smem:$0x3FAD]  }
0x28: {  	s2 =	sld [smem:$0x3FAE]  }
0x29: {  	s4 =	sld [smem:$0x3FB0]  }
0x2a: {  	p0 =	seq.s32 s5, $0x0;
	s5 =	sld [smem:$0x3FB1]  }
0x2b: {  	s6 =	sld [smem:$0x3FB2]  }
0x2c: {  	s7 =	sld [smem:$0x3FB3]  }
0x2d: {  	s3 =	simm.s32 $0x108;
	s8 =	sld [smem:$0x3FB4]  }
0x2e: {  	s3 =	simm.s32 @!p0 $0x1082;
	s9 =	sld [smem:$0x3FB5]  }
0x2f: {  	lr =	sadd.s32 s0, s3;
	s0 =	sld [smem:$0x3FAC]  }
0x30: {  	s3 =	sld [smem:$0x3FAF]  }
0x31: {  	[smem:$0x3FB8] =	sst s10  }
0x32: {  	s10 =	sld [smem:$0x3FB6];
	_ =	sdelay $0x3  }
0x33: {  	p0 =	seq.s32 s10, $0x1;
	s10 =	sld [smem:$0x3FB8];
	_ =	sdelay $0x3  }
0x34: {  	[smem:$0x3FB8] =	sst s10  }
0x35: {  	s10 =	sld [smem:$0x3FB7];
	_ =	sdelay $0x3  }
0x36: {  	p1 =	seq.s32 s10, $0x1;
	s10 =	sld [smem:$0x3FB8];
	_ =	sdelay $0x3  }
0x37: {  	[smem:$0x3FB8] =	sst s10  }
0x38: {  	s10 =	sld [smem:$0x3FB9]  }
0x39: {  	_ = 	snop;
	(pc) =	sbr.ind lr, $3  }
0x3a: {  	_ = 	snop  }
0x3b: {  	_ = 	snop  }
0x3c: {  	p2 =	seq.s32 s10, $0x1;
	s10 =	sld [smem:$0x3FB8]  }
0x3d: {  	_ =	shalt  }
0x3e: {  	_ =	shalt  }
0x3f: {  	_ =	shalt  }
0x40: {  	_ =	shalt  }
0x41: {  	_ =	shalt  }
0x42: {  	_ =	shalt  }
0x43: {  	_ =	shalt  }
0x44: {  	_ =	shalt  }
0x45: {  	_ =	shalt  }
0x46: {  	_ =	shalt  }
0x47: {  	_ =	shalt  }
0x48: {  	_ =	shalt  }
0x49: {  	_ =	shalt  }
0x4a: {  	_ =	shalt  }
0x4b: {  	_ =	shalt  }
0x4c: {  	_ =	shalt  }
0x4d: {  	_ =	shalt  }
0x4e: {  	_ =	shalt  }
0x4f: {  	_ =	shalt  }
0x50: {  	_ =	shalt  }
0x51: {  	_ =	shalt  }
0x52: {  	_ =	shalt  }
0x53: {  	_ =	shalt  }
0x54: {  	_ =	shalt  }
0x55: {  	_ =	shalt  }
0x56: {  	_ =	shalt  }
0x57: {  	_ =	shalt  }
0x58: {  	_ =	shalt  }
0x59: {  	_ =	shalt  }
0x5a: {  	_ =	shalt  }
0x5b: {  	_ =	shalt  }
0x5c: {  	_ =	shalt  }
0x5d: {  	_ =	shalt  }
0x5e: {  	_ =	shalt  }
0x5f: {  	_ =	shalt  }
0x60: {  	_ =	shalt  }
0x61: {  	_ =	shalt  }
0x62: {  	_ =	shalt  }
0x63: {  	_ =	shalt  }
0x64: {  	_ =	shalt  }
0x65: {  	_ =	shalt  }
0x66: {  	_ =	shalt  }
0x67: {  	_ =	shalt  }
0x68: {  	_ =	shalt  }
0x69: {  	_ =	shalt  }
0x6a: {  	_ =	shalt  }
0x6b: {  	_ =	shalt  }
0x6c: {  	_ =	shalt  }
0x6d: {  	_ =	shalt  }
0x6e: {  	_ =	shalt  }
0x6f: {  	_ =	shalt  }
0x70: {  	_ =	shalt  }
0x71: {  	_ =	shalt  }
0x72: {  	_ =	shalt  }
0x73: {  	_ =	shalt  }
0x74: {  	_ =	shalt  }
0x75: {  	_ =	shalt  }
0x76: {  	_ =	shalt  }
0x77: {  	_ =	shalt  }
0x78: {  	_ =	shalt  }
0x79: {  	_ =	shalt  }
0x7a: {  	_ =	shalt  }
0x7b: {  	_ =	shalt  }
0x7c: {  	_ =	shalt  }
0x7d: {  	_ =	shalt  }
0x7e: {  	_ =	shalt  }
0x7f: {  	_ =	shalt  }
0x80: {  	_ =	shalt  }
0x81: {  	_ =	shalt  }
0x82: {  	_ =	shalt  }
0x83: {  	_ =	shalt  }
0x84: {  	_ =	shalt  }
0x85: {  	_ =	shalt  }
0x86: {  	_ =	shalt  }
0x87: {  	_ =	shalt  }
.Lfunc_end0:
.L_simem_size_0:
called_computation.1_lowered:
.L_overlay_start_0:
0x88: {  	s2 =	sld [smem:$0x3FD9]  }
0x89: {  	s3 =	sld [smem:$0x3FFE];
	_ =	sdelay $0x1  }
0x8a: {  	s1 =	srdreg.scid  }
0x8b: {  	s0 =	sand.u32 $0x1, s1  }
0x8c: {  	s17 =	sshll.u32 s0, $0xA;
	s2 =	sadd.s32 s3, s2  }
0x8d: {  	s2 =	sadd.s32 s2, s17  }
0x8e: {  	[smem:$0x3FC4] =	sst s2  }
0x8f: {  	_ = 	snop  }
0x90: {  	s2 =	sld [smem:$0x3FD0];
	(tm) =	ssettm $0x1  }
0x91: {  	s18 =	sld [smem:$0x3FFB];
	_ =	sdelay $0x3  }
0x92: {  	_ =	strace s18  }
0x93: {  	s3 =	sld [smem:$0x3FFC];
	_ =	sdelay $0x3  }
0x94: {  	_ =	strace s3  }
0x95: {  	s3 =	sld [smem:$0x3FFD];
	_ =	sdelay $0x3  }
0x96: {  	_ =	strace s3  }
0x97: {  	_ =	strace $0x8FFFFFFF  }
0x98: {  	s19 =	sld [smem:$0x3FDB];
	_ =	sdelay $0x1  }
0x99: {  	s4 =	simm.s32 $_scs_section_size  }
0x9a: {  	s5 =	simm.s32 $_size__tile_overlayer_lowered;
	s6 =	simm.s32 $_tile_overlayer_lowered  }
0x9b: {  	s22 =	simm.s32 $0x1BFF;
	s21 =	sshll.u32 s6, $0x1;
	s3 =	sadd.s32 s4, s19  }
0x9c: {  	s7 =	simm.s32 $0x0;
	s20 =	sshll.u32 s5, $0x1;
	s5 =	sadd.s32 s21, s3  }
0x9d: {  	[timem:s7], [sflag:s22] =	dma.local [hbm:s5], s20  }
0x9e: {  	_ =	swait.ge [sflag:s22], s20  }
0x9f: {  	s4 =	ssub.s32 $0x0, s20;
	[sflag:s22] =	ssyncset.done $0x0  }
0xa0: {  	[sflag:s22] =	ssyncadd.s32 s4;
	_ =	sdelay $0x1  }
0xa1: {  	s23 =	simm.s32 $0x1B8B  }
0xa2: {  	_ =	swait.ge [sflag:s23], $0x1  }
0xa3: {  	[sflag:s23] =	ssyncset.done $0x0  }
0xa4: {  	s25 =	simm.s32 $0x1B8E;
	s24 =	sld [smem:$0x3FFE];
	[sflag:s23] =	ssyncadd.s32 $0xFFFFFFFF  }
0xa5: {  	s26 =	simm.s32 $execute0_lowered;
	[smem:$0x3FD2] =	sst s25  }
0xa6: {  	s5 =	sshll.u32 s26, $0x1;
	_ =	strace $0x80000046;
	[dreg:$0x1] =	wrdreg $0xFFFFFFFF  }
0xa7: {  	s28 =	simm.s32 $_size_execute0_lowered;
	s3 =	sadd.s32 s3, s5;
	[dreg:$0x0] =	wrdreg $0x0  }
0xa8: {  	s5 =	sshll.u32 s28, $0x1;
	[dreg:$0x2] =	wrdreg s3  }
0xa9: {  	[dreg:$0x3] =	wrdreg s5  }
0xaa: {  	[dreg:$0x4] =	wrdreg $0xC0  }
0xab: {  	_ =	task [dreg:s7], $0x5FFFF  }
0xac: {  	[dreg:$0x1] =	wrdreg $0xFFFFFFFF  }
0xad: {  	[dreg:$0x0] =	wrdreg $0x60  }
0xae: {  	[dreg:$0x2] =	wrdreg s24  }
0xaf: {  	[dreg:$0x3] =	wrdreg s2  }
0xb0: {  	[dreg:$0x4] =	wrdreg $0x0  }
0xb1: {  	[dreg:$0x5] =	wrdreg $0xFA80  }
0xb2: {  	[dreg:$0x6] =	wrdreg $0x9  }
0xb3: {  	_ =	task.clear_ibuf [dreg:s7], $0x7FFFF;
	_ =	strace $0x90000046  }
0xb4: {  	s29 =	simm.s32 $0x9;
	_ =	strace $0x80000048  }
0xb5: {  	_ =	swait.ge [sflag:s29], $0x1  }
0xb6: {  	[sflag:s29] =	ssyncadd.s32 $0xFFFFFFFF  }
0xb7: {  	_ =	strace $0x90000048  }
0xb8: {  	_ =	sfence  }
0xb9: {  	s30 =	sld [smem:$0x0];
	_ =	sdelay $0x2  }
0xba: {  	s31 =	sshll.u32 s1, $0xD;
	s1 =	sshrl.u32 s1, $0x2  }
0xbb: {  	s3 =	sand.u32 $0x4000, s31;
	s1 =	sadd.s32 s1, s30  }
0xbc: {  	s0 =	sor.u32 s3, s0;
	s1 =	sshll.u32 s1, $0x11  }
0xbd: {  	s0 =	sor.u32 s1, s0  }
0xbe: {  	s0 =	sadd.s32 $0x8F2B, s0  }
0xbf: {  	[sflag:s0] =	ssyncadd.remote.s32 $0x1  }
0xc0: {  	_ =	sfence.sel $0xFFFF  }
0xc1: {  	[dreg:$0x0] =	wrdreg $0xFFFFFFFF;
	(pc) =	sbr.abs _section_cstart, $3  }
0xc2: {  	[dreg:$0x1] =	wrdreg $0xFFFFFFFF  }
0xc3: {  	_ =	task.clear_ibuf [dreg:s7], $0x2FFFF;
	_ =	strace $0x9FFFFFFF  }
0xc4: {  	(tm) =	ssettm $0x7FFFFFFF  }
0xc5: {  	_ =	shalt  }
tec
execute0_lowered:
.L_overlay_start_1:
0x0: {  	(tag) =	ssettag $0x1  }
0x1: {  	s1 =	rddreg [dreg:$0x0]  }
0x2: {  	s6 =	rddreg [dreg:$0x1]  }
0x3: {  	s0 =	rddreg [dreg:$0x2];
	s3 =	srdreg.scid  }
0x4: {  	s7 =	stileid.u32;
	s2 =	rddreg [dreg:$0x3];
	s17 =	simm.s32 $0x7  }
0x5: {  	s18 =	simm.s32 $0x2150;
	s19 =	simm.s32 $0x200;
	s20 =	simm.s32 $0x2750  }
0x6: {  	s28 =	simm.s32 $0x5;
	s30 =	simm.s32 $0x6;
	s31 =	simm.s32 $0x0  }
0x7: {  	s8 =	sand.u32 $0x1, s3;
	s4 =	sshll.u32 s7, $0x1;
	s10 =	smul.u32 $0x320000, s7  }
0x8: {  	s3 =	simm.s32 $0x0;
	s5 =	sadd.s32 $0x1DA00, s1;
	s13 =	smul.u32 $0xC800, s7  }
0x9: {  	s12 =	sadd.s32 $0xA00, s1;
	s4 =	sor.u32 s8, s4;
	s11 =	smul.u32 $0x190000, s8  }
0xa: {  	[smem:$0x7FF] =	sst s3;
	s21 =	ssub.s32 $0x2, s8;
	s8 =	smul.u32 $0x6400, s8  }
0xb: {  	s9 =	smul.u32 $0x6400, s4;
	_ =	strace $0x80000047;
	s4 =	sadd.s32 $0x4A00, s1  }
0xc: {  	[dreg:$0x7] =	wrdreg s12;
	s1 =	sadd.s32 $0x2A00, s1;
	s22 =	sshrl.u32 s21, $0x1  }
0xd: {  	p0 =	sne.s32 s7, $0x0;
	[dreg:$0x8] =	wrdreg s1;
	s1 =	ssub.s32 s21, s22  }
0xe: {  	s10 =	sadd.s32 s11, s10;
	s8 =	sadd.s32 s8, s13;
	s21 =	simm.s32 $0x1  }
0xf: {  	s22 =	simm.s32 $0x2350;
	s9 =	sshrl.u32 s9, $0x3;
	s1 =	smax.u32 s1, $0x1  }
0x10: {  	s10 =	sshrl.u32 s10, $0x3;
	s23 =	sadd.s32 s4, s9;
	[dreg:$0xb] =	wrdreg s1  }
0x11: {  	s25 =	sor.u32 $0x200, s8;
	s9 =	sadd.s32 s5, s9;
	[dreg:$0x9] =	wrdreg s23  }
0x12: {  	s24 =	sadd.s32 s10, s6;
	s26 =	sshll.u32 s25, $0x3;
	[dreg:$0xa] =	wrdreg s9  }
0x13: {  	s29 =	sshrl.u32 s25, $0x3;
	s25 =	simm.s32 $0x2;
	[dreg:$0x5] =	wrdreg s24  }
0x14: {  	s9 =	sadd.s32 $0x400, s8;
	s1 =	sadd.s32 s26, s6;
	s12 =	sadd.s32 s29, s5  }
0x15: {  	s13 =	sadd.s32 s29, s4;
	[dreg:$0x6] =	wrdreg s1;
	s1 =	sshrl.u32 @!p0 s0, $0x3  }
0x16: {  	s23 =	simm.s32 $0x2550;
	[dreg:$0xc] =	wrdreg s1;
	s1 =	sshrl.u32 @!p0 s2, $0x3  }
0x17: {  	s24 =	simm.s32 $0xA750;
	s26 =	simm.s32 $0x4;
	[dreg:$0xd] =	wrdreg s1  }
.LBB2_1:
0x18: {  	s6 =	rddreg [dreg:$0x7]  }
0x19: {  	s1 =	simm.s32 @!p0 $0x1C07;
	s7 =	rddreg [dreg:$0xc]  }
0x1a: {  	[spmem:s7], [sflag:s1] =	dma.local @!p0 [hbm:s6], $0x1F48  }
0x1b: {  	s6 =	simm.s32 @!p0 $0x7  }
0x1c: {  	_ =	swait.ge @!p0 [sflag:s6], $0x1F48  }
0x1d: {  	[sflag:s6] =	ssyncset.done @!p0 $0x0;
	s7 =	rddreg [dreg:$0x8]  }
0x1e: {  	s8 =	rddreg [dreg:$0xd];
	[sflag:s6] =	ssyncadd.s32 @!p0 $0xFFFFE0B8  }
0x1f: {  	[spmem:s8], [sflag:s1] =	dma.local @!p0 [hbm:s7], $0x1F48  }
0x20: {  	_ =	swait.ge @!p0 [sflag:s6], $0x1F48  }
0x21: {  	[sflag:s6] =	ssyncset.done @!p0 $0x0  }
0x22: {  	[sflag:s6] =	ssyncadd.s32 @!p0 $0xFFFFE0B8  }
0x23: {  	[bflag:$0x0] =	sbarrier.arrive $0xFFFF  }
0x24: {  	s15 =	simm.s32 $0x1F50;
	s14 =	rddreg [dreg:$0x9]  }
0x25: {  	[tilespmem:s15], [sflag:$0x7] =	stream.linear.gather [hbm4b:s14+s3], $0x200, $0x38;
	[tilespmem:$0x12750] =	vst v63  }
0x26: {  	_ =	swait.ge [sflag:s17], $0x200  }
0x27: {  	[sflag:s17] =	ssyncset.done $0x0  }
0x28: {  	s16 =	rddreg [dreg:$0xa];
	[sflag:s17] =	ssyncadd.s32 $0xFFFFFE00  }
0x29: {  	[tilespmem:s18], [sflag:$0x7] =	stream.linear.gather [hbm4b:s16+s3], $0x200, $0x38;
	[tilespmem:$0x12750] =	vst v63  }
0x2a: {  	_ =	swait.ge [sflag:s17], $0x200  }
0x2b: {  	[sflag:s17] =	ssyncset.done $0x0  }
0x2c: {  	[sflag:s17] =	ssyncadd.s32 $0xFFFFFE00  }
0x2d: {  	[tilespmem:s20], [sflag:$0x1] =	stream.indirect.gather [spmem:s0], $0x40, s15, s19, $0xb8;
	[tilespmem:$0x12750] =	vst v63  }
0x2e: {  	_ =	swait.ge [sflag:s21], $0x8000  }
0x2f: {  	p1 =	por $0x1, $0x1;
	[sflag:s21] =	ssyncset.done $0x0  }
0x30: {  	s1 =	simm.s32 @!p1 $0x6;
	[sflag:s21] =	ssyncadd.s32 $0xFFFF8000  }
0x31: {  	[tilespmem:s20], [sflag:$0x2] =	stream.indirect.gather.add.f32 [spmem:s2], $0x40, s18, s19, $0xb8;
	[tilespmem:$0x12750] =	vst v63  }
0x32: {  	_ =	swait.ge @!p1 [sflag:s1], $0x8000  }
0x33: {  	[sflag:s1] =	ssyncset.done @!p1 $0x0  }
0x34: {  	[sflag:s1] =	ssyncadd.s32 @!p1 $0xFFFF8000  }
0x35: {  	[tilespmem:s22], [sflag:$0x7] =	stream.linear.gather [hbm4b:s13+s3], $0x200, $0x38;
	[tilespmem:$0x12750] =	vst v63  }
0x36: {  	_ =	swait.ge [sflag:s17], $0x200  }
0x37: {  	[sflag:s17] =	ssyncset.done $0x0  }
0x38: {  	[sflag:s17] =	ssyncadd.s32 $0xFFFFFE00  }
0x39: {  	[tilespmem:s23], [sflag:$0x7] =	stream.linear.gather [hbm4b:s12+s3], $0x200, $0x38;
	[tilespmem:$0x12750] =	vst v63  }
0x3a: {  	_ =	swait.ge [sflag:s17], $0x200  }
0x3b: {  	[sflag:s17] =	ssyncset.done $0x0  }
0x3c: {  	[sflag:s17] =	ssyncadd.s32 $0xFFFFFE00  }
0x3d: {  	[tilespmem:s24], [sflag:$0x4] =	stream.indirect.gather [spmem:s0], $0x40, s22, s19, $0xb8;
	[tilespmem:$0x12750] =	vst v63  }
0x3e: {  	_ =	swait.ge [sflag:s25], $0x8000  }
0x3f: {  	s29 =	rddreg [dreg:$0x5];
	[sflag:s25] =	ssyncset.done $0x0  }
0x40: {  	[sflag:s25] =	ssyncadd.s32 $0xFFFF8000;
	s1 =	sadd.s32 $0x0, s29  }
0x41: {  	[hbm4b:s1+s3] =	stream.linear.scatter [tilespmem:s20], [sflag:$0x3], $0x8000, $0x38;
	[tilespmem:$0x12750] =	vst v63  }
0x42: {  	_ =	swait.ge [sflag:s26], $0x8000  }
0x43: {  	p1 =	por $0x0, $0x0;
	[sflag:s26] =	ssyncset.done $0x0  }
0x44: {  	s1 =	simm.s32 @!p1 $0x3;
	[sflag:s26] =	ssyncadd.s32 $0xFFFF8000  }
0x45: {  	[tilespmem:s24], [sflag:$0x5] =	stream.indirect.gather.add.f32 [spmem:s2], $0x40, s23, s19, $0xb8;
	[tilespmem:$0x12750] =	vst v63  }
0x46: {  	s6 =	sshrl.u32 @!p1 s9, $0x3;
	_ =	swait.ge @!p1 [sflag:s1], $0x8000  }
0x47: {  	s8 =	simm.s32 @!p1 $0x0;
	s10 =	simm.s32 @!p1 $0x1F50;
	[sflag:s1] =	ssyncset.done @!p1 $0x0  }
0x48: {  	s7 =	sadd.s32 @!p1 s4, s6;
	[sflag:s1] =	ssyncadd.s32 @!p1 $0xFFFF8000;
	s1 =	simm.s32 @!p1 $0x7  }
0x49: {  	[tilespmem:s10], [sflag:$0x7] =	stream.linear.gather @!p1 [hbm4b:s7+s8], $0x200, $0x38;
	[tilespmem:$0x12750] =	vst v63  }
0x4a: {  	_ =	swait.ge @!p1 [sflag:s1], $0x200  }
0x4b: {  	[sflag:s1] =	ssyncset.done @!p1 $0x0  }
0x4c: {  	s6 =	sadd.s32 @!p1 s5, s6;
	s7 =	simm.s32 @!p1 $0x2150;
	[sflag:s1] =	ssyncadd.s32 @!p1 $0xFFFFFE00  }
0x4d: {  	[tilespmem:s7], [sflag:$0x7] =	stream.linear.gather @!p1 [hbm4b:s6+s8], $0x200, $0x38;
	[tilespmem:$0x12750] =	vst v63  }
0x4e: {  	_ =	swait.ge @!p1 [sflag:s1], $0x200  }
0x4f: {  	[sflag:s1] =	ssyncset.done @!p1 $0x0  }
0x50: {  	s6 =	simm.s32 @!p1 $0x200;
	s7 =	simm.s32 @!p1 $0x2750;
	[sflag:s1] =	ssyncadd.s32 @!p1 $0xFFFFFE00  }
0x51: {  	[tilespmem:s7], [sflag:$0x1] =	stream.indirect.gather @!p1 [spmem:s0], $0x40, s10, s6, $0xb8;
	[tilespmem:$0x12750] =	vst v63  }
0x52: {  	s11 =	smov.u32 s9;
	s8 =	simm.s32 $0x0;
	_ =	swait.ge [sflag:s28], $0x8000  }
0x53: {  	s1 =	simm.s32 $0x2000;
	s6 =	sadd.s32 $0x80, s12;
	[sflag:s28] =	ssyncset.done $0x0  }
0x54: {  	s7 =	sadd.s32 $0x80, s13;
	s10 =	rddreg [dreg:$0x6];
	[sflag:s28] =	ssyncadd.s32 $0xFFFF8000  }
.LBB2_2:
0x55: {  	s10 =	sadd.s32 s8, s10  }
0x56: {  	[hbm4b:s10+s3] =	stream.linear.scatter [tilespmem:s24], [sflag:$0x6], $0x8000, $0x38;
	[tilespmem:$0x12750] =	vst v63  }
0x57: {  	s8 =	smov.u32 s1;
	_ =	swait.ge [sflag:s21], $0x8000  }
0x58: {  	p2 =	seq.s32 s8, $0x0;
	[sflag:s21] =	ssyncset.done $0x0  }
0x59: {  	s10 =	simm.s32 @!p2 $0x6;
	[sflag:s21] =	ssyncadd.s32 $0xFFFF8000  }
0x5a: {  	[tilespmem:s20], [sflag:$0x2] =	stream.indirect.gather.add.f32 [spmem:s2], $0x40, s18, s19, $0xb8;
	[tilespmem:$0x12750] =	vst v63  }
0x5b: {  	_ =	swait.ge @!p2 [sflag:s10], $0x8000  }
0x5c: {  	[sflag:s10] =	ssyncset.done @!p2 $0x0  }
0x5d: {  	[sflag:s10] =	ssyncadd.s32 @!p2 $0xFFFF8000  }
0x5e: {  	[tilespmem:s22], [sflag:$0x7] =	stream.linear.gather [hbm4b:s7+s3], $0x200, $0x38;
	[tilespmem:$0x12750] =	vst v63  }
0x5f: {  	_ =	swait.ge [sflag:s17], $0x200  }
0x60: {  	[sflag:s17] =	ssyncset.done $0x0  }
0x61: {  	[sflag:s17] =	ssyncadd.s32 $0xFFFFFE00  }
0x62: {  	[tilespmem:s23], [sflag:$0x7] =	stream.linear.gather [hbm4b:s6+s3], $0x200, $0x38;
	[tilespmem:$0x12750] =	vst v63  }
0x63: {  	_ =	swait.ge [sflag:s17], $0x200  }
0x64: {  	[sflag:s17] =	ssyncset.done $0x0  }
0x65: {  	[sflag:s17] =	ssyncadd.s32 $0xFFFFFE00  }
0x66: {  	[tilespmem:s24], [sflag:$0x4] =	stream.indirect.gather [spmem:s0], $0x40, s22, s19, $0xb8;
	[tilespmem:$0x12750] =	vst v63  }
0x67: {  	_ =	swait.ge [sflag:s25], $0x8000  }
0x68: {  	s29 =	rddreg [dreg:$0x5];
	[sflag:s25] =	ssyncset.done $0x0  }
0x69: {  	[sflag:s25] =	ssyncadd.s32 $0xFFFF8000;
	s10 =	sadd.s32 s8, s29  }
0x6a: {  	[hbm4b:s10+s3] =	stream.linear.scatter [tilespmem:s20], [sflag:$0x3], $0x8000, $0x38;
	[tilespmem:$0x12750] =	vst v63  }
0x6b: {  	_ =	swait.ge [sflag:s26], $0x8000  }
0x6c: {  	p2 =	seq.s32 s8, $0x30000;
	[sflag:s26] =	ssyncset.done $0x0  }
0x6d: {  	s11 =	sadd.s32 $0x400, s11;
	s10 =	simm.s32 @!p2 $0x3;
	[sflag:s26] =	ssyncadd.s32 $0xFFFF8000  }
0x6e: {  	[tilespmem:s24], [sflag:$0x5] =	stream.indirect.gather.add.f32 [spmem:s2], $0x40, s23, s19, $0xb8;
	[tilespmem:$0x12750] =	vst v63  }
0x6f: {  	s16 =	sshrl.u32 @!p2 s11, $0x3;
	_ =	swait.ge @!p2 [sflag:s10], $0x8000  }
0x70: {  	s15 =	simm.s32 @!p2 $0x0;
	s14 =	sadd.s32 @!p2 s4, s16;
	[sflag:s10] =	ssyncset.done @!p2 $0x0  }
0x71: {  	s29 =	simm.s32 @!p2 $0x1F50;
	[sflag:s10] =	ssyncadd.s32 @!p2 $0xFFFF8000;
	s10 =	simm.s32 @!p2 $0x7  }
0x72: {  	[tilespmem:s29], [sflag:$0x7] =	stream.linear.gather @!p2 [hbm4b:s14+s15], $0x200, $0x38;
	[tilespmem:$0x12750] =	vst v63  }
0x73: {  	_ =	swait.ge @!p2 [sflag:s10], $0x200  }
0x74: {  	[sflag:s10] =	ssyncset.done @!p2 $0x0  }
0x75: {  	s16 =	sadd.s32 @!p2 s5, s16;
	s14 =	simm.s32 @!p2 $0x2150;
	[sflag:s10] =	ssyncadd.s32 @!p2 $0xFFFFFE00  }
0x76: {  	[tilespmem:s14], [sflag:$0x7] =	stream.linear.gather @!p2 [hbm4b:s16+s15], $0x200, $0x38;
	[tilespmem:$0x12750] =	vst v63  }
0x77: {  	s1 =	sadd.s32 $0x2000, s1;
	_ =	swait.ge @!p2 [sflag:s10], $0x200  }
0x78: {  	p1 =	sne.s32 s1, $0x32000;
	s14 =	simm.s32 @!p2 $0x200;
	[sflag:s10] =	ssyncset.done @!p2 $0x0  }
.Ltmp0:
0x79: {  	s15 =	simm.s32 @!p2 $0x2750;
	[sflag:s10] =	ssyncadd.s32 @!p2 $0xFFFFFE00;
	(pc) =	sbr.rel @p1 .LBB2_2-.Ltmp0, $4  }
0x7a: {  	[tilespmem:s15], [sflag:$0x1] =	stream.indirect.gather @!p2 [spmem:s0], $0x40, s29, s14, $0xb8;
	[tilespmem:$0x12750] =	vst v63  }
0x7b: {  	_ =	swait.ge [sflag:s28], $0x8000  }
0x7c: {  	s7 =	sadd.s32 $0x80, s7;
	[sflag:s28] =	ssyncset.done $0x0  }
0x7d: {  	s6 =	sadd.s32 $0x80, s6;
	s10 =	rddreg [dreg:$0x6];
	[sflag:s28] =	ssyncadd.s32 $0xFFFF8000  }
0x7e: {  	s1 =	sadd.s32 s8, s10;
	s16 =	simm.s32 $0x3  }
0x7f: {  	[hbm4b:s1+s3] =	stream.linear.scatter [tilespmem:s24], [sflag:$0x6], $0x8000, $0x38;
	[tilespmem:$0x12750] =	vst v63  }
0x80: {  	_ =	swait.ge [sflag:s16], $0x8000  }
0x81: {  	[sflag:s16] =	ssyncset.done $0x0  }
0x82: {  	[sflag:s16] =	ssyncadd.s32 $0xFFFF8000  }
0x83: {  	_ =	swait.ge [sflag:s30], $0x8000  }
0x84: {  	s31 =	sadd.s32 $0x1, s31;
	s29 =	rddreg [dreg:$0xb]  }
0x85: {  	p1 =	sne.s32 s31, s29  }
.Ltmp1:
0x86: {  	_ = 	snop;
	(pc) =	sbr.rel @p1 .LBB2_1-.Ltmp1, $3  }
0x87: {  	_ =	sdelay $0x1  }
0x88: {  	[sflag:s30] =	ssyncset.done $0x0  }
0x89: {  	[sflag:s30] =	ssyncadd.s32 $0xFFFF8000  }
0x8a: {  	_ =	sfence.sel $0x180000  }
0x8b: {  	[bflag:$0x0] =	sbarrier.arrive $0xFFFF  }
0x8c: {  	_ =	strace $0x90000047  }
0x8d: {  	[bflag:$0x2] =	sbarrier.arrive $0xFFFF  }
0x8e: {  	s0 =	rddreg [dreg:$0x4]  }
0x8f: {  	s0 =	sadd.s32 @!p0 $0x100000, s0  }
0x90: {  	[sflag:s0] =	ssyncadd.tile.s32 @!p0 $0x1;
	_ =	shalt  }
.Lfunc_end2:
_tile_overlayer_lowered:
.L_overlay_start_2:
0x91: {  	(tag) =	ssettag $0x2  }
0x92: {  	s0 =	rddreg [dreg:$0x0];
	s2 =	stileid.u32  }
0x93: {  	s1 =	rddreg [dreg:$0x1];
	p0 =	sne.s32 s2, $0x0  }
0x94: {  	s3 =	rddreg [dreg:$0x2];
	[bflag:$0x3] =	sbarrier.arrive $0xFFFF;
	s2 =	simm.s32 @!p0 $0x1C07  }
0x95: {  	[timem:s3], [sflag:s2] =	dma.local @!p0 [hbm:s0], s1  }
0x96: {  	s0 =	simm.s32 @!p0 $0x7  }
0x97: {  	_ =	swait.ge @!p0 [sflag:s0], s1  }
0x98: {  	s1 =	ssub.s32 @!p0 $0x0, s1;
	[sflag:s0] =	ssyncset.done @!p0 $0x0  }
0x99: {  	[sflag:s0] =	ssyncadd.s32 @!p0 s1  }
0x9a: {  	[bflag:$0x3] =	sbarrier.arrive $0xFFFF  }
0x9b: {  	_ =	shalt  }

// kernel: sparse-core-data-format-call.cloned.1.call-start
scs
called_computation_lowered:
.L_overlay_start_0:
0x0: {  	s2 =	sld [smem:$0x3FD9]  }
0x1: {  	s3 =	sld [smem:$0x3FFE];
	_ =	sdelay $0x1  }
0x2: {  	s1 =	srdreg.scid  }
0x3: {  	s0 =	sand.u32 $0x1, s1  }
0x4: {  	s18 =	sshll.u32 s0, $0xA;
	s2 =	sadd.s32 s3, s2  }
0x5: {  	s2 =	sadd.s32 s2, s18  }
0x6: {  	[smem:$0x3FC4] =	sst s2  }
0x7: {  	_ = 	snop  }
0x8: {  	s2 =	sld [smem:$0x3FD0];
	(tm) =	ssettm $0x1  }
0x9: {  	s19 =	sld [smem:$0x3FFB];
	_ =	sdelay $0x3  }
0xa: {  	_ =	strace s19  }
0xb: {  	s3 =	sld [smem:$0x3FFC];
	_ =	sdelay $0x3  }
0xc: {  	_ =	strace s3  }
0xd: {  	s3 =	sld [smem:$0x3FFD];
	_ =	sdelay $0x3  }
0xe: {  	_ =	strace s3  }
0xf: {  	_ =	strace $0x8FFFFFFF  }
0x10: {  	s20 =	sld [smem:$0x3FDB];
	_ =	sdelay $0x1  }
0x11: {  	s4 =	simm.s32 $_scs_section_size  }
0x12: {  	s5 =	simm.s32 $_size__tile_overlayer_lowered;
	s6 =	simm.s32 $_tile_overlayer_lowered  }
0x13: {  	s23 =	simm.s32 $0x1BFF;
	s22 =	sshll.u32 s6, $0x1;
	s3 =	sadd.s32 s4, s20  }
0x14: {  	s7 =	simm.s32 $0x0;
	s21 =	sshll.u32 s5, $0x1;
	s5 =	sadd.s32 s22, s3  }
0x15: {  	[timem:s7], [sflag:s23] =	dma.local [hbm:s5], s21  }
0x16: {  	_ =	swait.ge [sflag:s23], s21  }
0x17: {  	s4 =	ssub.s32 $0x0, s21;
	[sflag:s23] =	ssyncset.done $0x0  }
0x18: {  	[sflag:s23] =	ssyncadd.s32 s4;
	_ =	sdelay $0x1  }
0x19: {  	s24 =	simm.s32 $0x1B8B  }
0x1a: {  	_ =	swait.ge [sflag:s24], $0x1  }
0x1b: {  	[sflag:s24] =	ssyncset.done $0x0  }
0x1c: {  	s26 =	simm.s32 $0x1B8E;
	s25 =	sld [smem:$0x3FFE];
	[sflag:s24] =	ssyncadd.s32 $0xFFFFFFFF  }
0x1d: {  	s27 =	simm.s32 $execute0_lowered;
	[smem:$0x3FD2] =	sst s26  }
0x1e: {  	s5 =	sshll.u32 s27, $0x1;
	_ =	strace $0x80000049;
	[dreg:$0x1] =	wrdreg $0xFFFFFFFF  }
0x1f: {  	s28 =	simm.s32 $_size_execute0_lowered;
	s3 =	sadd.s32 s3, s5;
	[dreg:$0x0] =	wrdreg $0x0  }
0x20: {  	s5 =	sshll.u32 s28, $0x1;
	[dreg:$0x2] =	wrdreg s3  }
0x21: {  	[dreg:$0x3] =	wrdreg s5  }
0x22: {  	[dreg:$0x4] =	wrdreg $0xC0  }
0x23: {  	_ =	task [dreg:s7], $0x5FFFF  }
0x24: {  	[dreg:$0x1] =	wrdreg $0xFFFFFFFF  }
0x25: {  	[dreg:$0x0] =	wrdreg $0x60  }
0x26: {  	[dreg:$0x2] =	wrdreg s25  }
0x27: {  	[dreg:$0x3] =	wrdreg s2  }
0x28: {  	[dreg:$0x4] =	wrdreg $0x9  }
0x29: {  	_ =	task.clear_ibuf [dreg:s7], $0x5FFFF;
	_ =	strace $0x90000049  }
0x2a: {  	s29 =	simm.s32 $0x9;
	_ =	strace $0x8000004B  }
0x2b: {  	_ =	swait.ge [sflag:s29], $0x1  }
0x2c: {  	[sflag:s29] =	ssyncadd.s32 $0xFFFFFFFF  }
0x2d: {  	_ =	strace $0x9000004B  }
0x2e: {  	_ =	sfence  }
0x2f: {  	s30 =	sld [smem:$0x0];
	_ =	sdelay $0x2  }
0x30: {  	s31 =	sshll.u32 s1, $0xD;
	s1 =	sshrl.u32 s1, $0x2  }
0x31: {  	s3 =	sand.u32 $0x4000, s31;
	s1 =	sadd.s32 s1, s30  }
0x32: {  	s0 =	sor.u32 s3, s0;
	s1 =	sshll.u32 s1, $0x11  }
0x33: {  	s0 =	sor.u32 s1, s0  }
0x34: {  	s0 =	sadd.s32 $0x8F2B, s0  }
0x35: {  	[sflag:s0] =	ssyncadd.remote.s32 $0x1  }
0x36: {  	_ =	sfence.sel $0xFFFF  }
0x37: {  	[dreg:$0x0] =	wrdreg $0xFFFFFFFF;
	(pc) =	sbr.abs _section_cstart, $3  }
0x38: {  	[dreg:$0x1] =	wrdreg $0xFFFFFFFF  }
0x39: {  	_ =	task.clear_ibuf [dreg:s7], $0x2FFFF;
	_ =	strace $0x9FFFFFFF  }
0x3a: {  	(tm) =	ssettm $0x7FFFFFFF  }
0x3b: {  	_ =	shalt  }
tec
execute0_lowered:
.L_overlay_start_1:
0x0: {  	(tag) =	ssettag $0x1  }
0x1: {  	s0 =	srdreg.scid  }
0x2: {  	s1 =	sshll.u32 s0, $0x4  }
0x3: {  	s0 =	stileid.u32;
	s1 =	sand.u32 $0x10, s1  }
0x4: {  	s1 =	sor.u32 s0, s1  }
0x5: {  	s6 =	rddreg [dreg:$0x0];
	s4 =	simm.s32 $0x1;
	s2 =	sshll.u32 s1, $0x7  }
0x6: {  	s7 =	simm.s32 $0x2;
	s12 =	simm.s32 $0x0;
	s1 =	ssub.s32 $0x1000, s2  }
0x7: {  	s8 =	simm.s32 $0x8000;
	s13 =	simm.s32 $0x0;
	s3 =	sand.u32 $0xF80, s1  }
0x8: {  	s9 =	simm.s32 $0x0;
	s5 =	sshrl.u32 s1, $0xC;
	p0 =	sne.s32 s3, $0x0  }
.Ltmp0:
0x9: {  	s1 =	rddreg [dreg:$0x2];
	s4 =	simm.s32 @!p0 $0x0;
	(pc) =	sbr.rel .LBB1_1-.Ltmp0, $4  }
0xa: {  	s11 =	simm.s32 $0x0;
	s3 =	rddreg [dreg:$0x1];
	s5 =	sadd.s32 s4, s5  }
0xb: {  	_ =	strace $0x8000004A;
	s4 =	simm.s32 $0x1;
	s5 =	smul.u32 $0xC8, s5  }
0xc: {  	s6 =	sadd.s32 $0xA00, s6;
	s10 =	smov.u32 s2;
	[sflag:s4] =	ssyncpa.u1 $0x0  }
0xd: {  	p0 =	por $0x0, $0x0;
	[sflag:s7] =	ssyncpa.u1 $0x0;
	s7 =	sor.u32 $0x1, s5  }
.LBB1_4:
0xe: {  	s16 =	sshll.u32 s13, $0x3;
	s17 =	sand.u32 $0x78, s13  }
0xf: {  	s30 =	sand.u32 $0x7E00, s13;
	s12 =	sshll.u32 s12, $0xF;
	s16 =	sand.u32 $0xC00, s16  }
0x10: {  	[tilespmem:s15+$0x810 ss:$0x81] =	vst.msk $0xffff, v2;
	s31 =	sand.u32 $0x7, s13;
	s16 =	sor.u32 s17, s16;
	s17 =	sadd.s32 s3, s30  }
0x11: {  	[tilespmem:s15+$0x1020 ss:$0x81] =	vst.msk $0xffff, v0;
	s13 =	sshll.u32 s31, $0x12;
	s12 =	sadd.s32 s12, s17;
	s16 =	sshrl.u32 s16, $0x3  }
0x12: {  	[tilespmem:s15+$0x0 ss:$0x81] =	vst.msk $0xffff, v1;
	s13 =	sor.u32 $0x400, s13;
	s12 =	sadd.s32 s16, s12  }
0x13: {  	[hbm4b:s12+s13] =	stream.strided.scatter [tilespmem:s14], [sflag:$0x2], $0x2000, s8, s13, $0x20;
	[tilespmem:$0x8080] =	vst v63  }
.LBB1_5:
0x14: {  	s14 =	sadd.s32 $0x1, s9  }
0x15: {  	s12 =	sadd.s32 $0x1000, s10;
	s16 =	smov.u32 s10;
	p2 =	sgt.s32 s14, $0xC7  }
0x16: {  	s16 =	smov.u32 @p2 s12  }
0x17: {  	s14 =	simm.s32 @p2 $0x0;
	p2 =	sgt.s32 s16, $0xFFF  }
0x18: {  	s16 =	smov.u32 @p2 s2;
	p2 =	sne.s32 s11, s7  }
.Ltmp1:
0x19: {  	p1 =	slt.u32 s11, $0x2;
	(pc) =	sbr.rel @!p2 .LBB1_6-.Ltmp1, $4  }
0x1a: {  	s15 =	simm.s32 @!p1 $0x2  }
0x1b: {  	s13 =	smov.u32 s10;
	p0 =	por !p0, !p0;
	_ =	swait.ge @!p1 [sflag:s15], $0x2000  }
0x1c: {  	s12 =	smov.u32 s9;
	[sflag:s15] =	ssyncset.done @!p1 $0x0;
	s9 =	smov.u32 s14  }
0x1d: {  	s11 =	sadd.s32 $0x1, s11;
	[sflag:s15] =	ssyncadd.s32 @!p1 $0xFFFFE000;
	s10 =	smov.u32 s16  }
.LBB1_1:
0x1e: {  	p1 =	sge.u32 s11, s5  }
0x1f: {  	s14 =	sand.u32 @!p1 $0x1FFFFFF, s9  }
0x20: {  	s15 =	smulhi.u32 @!p1 $0x147AE15, s14;
	_ =	sdelay $0x1  }
0x21: {  	s15 =	smul.u32 @!p1 $0xC8, s15  }
0x22: {  	s16 =	sxor.u32 @!p1 $0xFFFFFFFF, s11;
	s17 =	smul.u32 @!p1 $0xC80, s10  }
0x23: {  	s31 =	sadd.s32 $0xFFFFFFFF, s11;
	s16 =	sshll.u32 @!p1 s16, $0xD;
	s14 =	ssub.s32 @!p1 s14, s15  }
0x24: {  	s15 =	sand.u32 @!p1 $0x2000, s16;
	s16 =	sadd.s32 @!p1 s6, s17;
	s14 =	sshll.u32 @!p1 s14, $0x4  }
0x25: {  	s17 =	simm.s32 @!p1 $0x6400;
	s14 =	sadd.s32 @!p1 s14, s16;
	s16 =	simm.s32 @!p1 $0x40  }
0x26: {  	[tilespmem:s15], [sflag:$0x1] =	stream.strided.gather @!p1 [hbm4b:s14+s16], $0x2000, s17, s16, $0x38;
	[tilespmem:$0x8080] =	vst v63  }
0x27: {  	p1 =	sge.u32 s31, s5  }
.Ltmp2:
0x28: {  	_ = 	snop;
	(pc) =	sbr.rel @p1 .LBB1_5-.Ltmp2, $1  }
0x29: {  	_ =	sdelay $0x3  }
0x2a: {  	s14 =	simm.s32 $0x1  }
0x2b: {  	_ =	swait.ge [sflag:s4], $0x2000;
	s14 =	simm.s32 @!p0 $0x0  }
0x2c: {  	[sflag:s4] =	ssyncset.done $0x0;
	s15 =	sshll.u32 s14, $0xD  }
0x2d: {  	[sflag:s4] =	ssyncadd.s32 $0xFFFFE000;
	s18 =	sor.u32 $0x20, s15  }
0x2e: {  	s14 =	smul.u32 $0x8100, s14;
	v3 =	vld [tilespmem:s18+$0x10]  }
0x2f: {  	s30 =	sand.u32 $0x1, s11;
	v2 =	vld [tilespmem:s18+$0xFFFFFFF0]  }
0x30: {  	s15 =	smul.u32 $0x8100, s30;
	s14 =	sshrl.u32 s14, $0x2;
	v0 =	vld [tilespmem:s18+$0x0]  }
0x31: {  	v1 =	vld [tilespmem:s18+$0xFFFFFFE0];
	s16 =	sor.u32 $0x4000, s14  }
0x32: {  	s31 =	sshrl.u32 s15, $0x2;
	s15 =	sadd.s32 $0x0, s16  }
0x33: {  	s17 =	simm.s32 $0x4;
	s18 =	sadd.s32 $0x40, s18;
	s14 =	sor.u32 $0x4000, s31;
	[tilespmem:s15+$0x1830 ss:$0x81] =	vst.msk $0xffff, v3  }
.LBB1_3:
0x34: {  	v3 =	vld [tilespmem:s18+$0x10];
	p1 =	sne.s32 s17, $0x1FC;
	[tilespmem:s15+$0x810 ss:$0x81] =	vst.msk $0xffff, v2;
	s19 =	smov.u32 s17;
	s17 =	sadd.s32 $0x4, s17  }
.Ltmp3:
0x35: {  	v2 =	vld [tilespmem:s18+$0xFFFFFFF0];
	[tilespmem:s15+$0x1020 ss:$0x81] =	vst.msk $0xffff, v0;
	(pc) =	sbr.rel @p1 .LBB1_3-.Ltmp3, $4  }
0x36: {  	v0 =	vld [tilespmem:s18+$0x0];
	[tilespmem:s15+$0x0 ss:$0x81] =	vst.msk $0xffff, v1  }
0x37: {  	s15 =	sshra.s32 s19, $0x2;
	v1 =	vld [tilespmem:s18+$0xFFFFFFE0]  }
0x38: {  	s15 =	sadd.s32 s15, s16  }
0x39: {  	s18 =	sadd.s32 $0x40, s18;
	[tilespmem:s15+$0x1830 ss:$0x81] =	vst.msk $0xffff, v3  }
.Ltmp4:
0x3a: {  	_ = 	snop;
	(pc) =	sbr.rel .LBB1_4-.Ltmp4, $1  }
0x3b: {  	_ =	sdelay $0x3  }
.LBB1_6:
0x3c: {  	_ =	sfence.sel $0x180000  }
0x3d: {  	s2 =	simm.s32 $0x1;
	[bflag:$0x0] =	sbarrier.arrive $0xFFFF  }
0x3e: {  	s31 =	simm.s32 $0x2;
	[sflag:s2] =	ssyncpa.u1 $0x1  }
0x3f: {  	[sflag:s31] =	ssyncpa.u1 $0x1  }
0x40: {  	p0 =	sne.s32 s0, $0x0;
	_ =	strace $0x9000004A  }
0x41: {  	s0 =	sadd.s32 @!p0 $0x100000, s1;
	[bflag:$0x2] =	sbarrier.arrive $0xFFFF  }
0x42: {  	[sflag:s0] =	ssyncadd.tile.s32 @!p0 $0x1;
	_ =	shalt  }
.Lfunc_end1:
_tile_overlayer_lowered:
.L_overlay_start_2:
0x43: {  	(tag) =	ssettag $0x2  }
0x44: {  	s0 =	rddreg [dreg:$0x0];
	s2 =	stileid.u32  }
0x45: {  	s1 =	rddreg [dreg:$0x1];
	p0 =	sne.s32 s2, $0x0  }
0x46: {  	s3 =	rddreg [dreg:$0x2];
	[bflag:$0x3] =	sbarrier.arrive $0xFFFF;
	s2 =	simm.s32 @!p0 $0x1C01  }
0x47: {  	[timem:s3], [sflag:s2] =	dma.local @!p0 [hbm:s0], s1  }
0x48: {  	s0 =	simm.s32 @!p0 $0x1  }
0x49: {  	_ =	swait.ge @!p0 [sflag:s0], s1  }
0x4a: {  	s1 =	ssub.s32 @!p0 $0x0, s1;
	[sflag:s0] =	ssyncset.done @!p0 $0x0  }
0x4b: {  	[sflag:s0] =	ssyncadd.s32 @!p0 s1  }
0x4c: {  	[bflag:$0x3] =	sbarrier.arrive $0xFFFF  }
0x4d: {  	_ =	shalt  }

</sc_bundles>
